<compile_context>
chip_gen: v7x
topology: tpu7x:2x2x1
jax: 0.10.2.dev20260603
libtpu: 0.0.44.dev20260713+nightly
codegen_flags: <defaults>
</compile_context>

<pallas_src>
import functools
import math

import jax
import jax.numpy as jnp
from jax import lax
from jax.experimental import pallas as pl
from jax.experimental.pallas import tpu as pltpu
from jax.experimental.pallas import tpu_sc as plsc

_C1 = -2.0 * math.sqrt(2.0 / math.pi)
_C3 = -2.0 * math.sqrt(2.0 / math.pi) * 0.044715

_NC, _NS = 2, 16
_NW = _NC * _NS
_CH = 16384


def _sc_gelu_body(x_hbm, o_hbm, buf_in, buf_out):
    wid = lax.axis_index("c") * _NS + lax.axis_index("s")
    span = x_hbm.shape[0] // _NW
    base = wid * span

    def chunk(ci, carry):
        off = base + ci * _CH
        pltpu.sync_copy(x_hbm.at[pl.ds(off, _CH)], buf_in)

        def vec(vi, c):
            v = buf_in[pl.ds(vi * 16, 16)]
            u = v * v
            w = u * v
            e = jnp.exp(_C1 * v + _C3 * w)
            buf_out[pl.ds(vi * 16, 16)] = v / (1.0 + e)
            return c

        lax.fori_loop(0, _CH // 16, vec, 0, unroll=4)
        pltpu.sync_copy(buf_out, o_hbm.at[pl.ds(off, _CH)])
        return carry

    lax.fori_loop(0, span // _CH, chunk, 0)


def _sc_gelu(flat):
    n = flat.shape[0]
    mesh = plsc.VectorSubcoreMesh(core_axis_name="c", subcore_axis_name="s")
    return pl.kernel(
        _sc_gelu_body,
        out_type=jax.ShapeDtypeStruct((n,), jnp.float32),
        mesh=mesh,
        scratch_types=[
            pltpu.VMEM((_CH,), jnp.float32),
            pltpu.VMEM((_CH,), jnp.float32),
        ],
    )(flat)


def kernel(x, logit_decay, log_tau, log_blend):
    del logit_decay, log_tau, log_blend
    B, T, D = x.shape
    out = _sc_gelu(x.reshape(B * T * D))
    return out.reshape(B, T, D)

# --- scband reference (transcript-rebuilt; emitter-appended) ---
"""Pipeline reference for scband-gelu54-17566416240686 (READ-ONLY COPY).

The authoritative reference and input builder live on the scoring server;
editing this copy changes nothing except your own understanding.
"""

import math
import jax, jax.numpy as jnp
import numpy as np

BUFFER_SIZE = 32
EMA_DECAY = 0.95


def _gelu_tanh(x):
    return 0.5 * x * (1.0 + jnp.tanh(math.sqrt(2.0 / math.pi) * (x + 0.044715 * jnp.power(x, 3))))


def _normalize(v, axis, eps=1e-12):
    n = jnp.sqrt(jnp.sum(v * v, axis=axis, keepdims=True))
    return v / jnp.maximum(n, eps)


def setup_inputs(seed: int = 0) -> dict:
    key = jax.random.key(seed)
    k1, _ = jax.random.split(key)
    x = jax.random.normal(k1, (4, 8192, 2048), dtype=jnp.float32)
    logit_decay = jnp.asarray(math.log(EMA_DECAY / (1.0 - EMA_DECAY)), dtype=jnp.float32)
    log_tau = jnp.asarray(math.log(2.0), dtype=jnp.float32)
    log_blend = jnp.asarray(math.log(0.3 / 0.7), dtype=jnp.float32)
    return {"x": x, "logit_decay": logit_decay, "log_tau": log_tau, "log_blend": log_blend}


def reference(x, logit_decay, log_tau, log_blend):
    # Faithful translation of GELU54.forward for a freshly constructed module
    # (self._ready == False on the first call):
    #   out = tanh-GELU(x); the ring buffer is initialized with a scatter write
    #   (buf[0] <- normalize(mean token activation), mask[0] <- True) and `out`
    #   is returned unmodified. tau/alpha are computed but unused on this path.
    B, T, D = x.shape
    tau = jnp.exp(log_tau)
    alpha = jax.nn.sigmoid(log_blend)
    out = _gelu_tanh(x)
    # state initialization (scatter-overwrite into the ring buffer)
    m_curr = jax.lax.stop_gradient(out).reshape(B * T, D).mean(axis=0)
    m_curr_norm = _normalize(m_curr, axis=0)
    buf = jnp.zeros((BUFFER_SIZE, D), dtype=out.dtype).at[0].set(m_curr_norm)
    mask = jnp.zeros((BUFFER_SIZE,), dtype=bool).at[0].set(True)
    # forward returns only `out` on the first call; buf/mask live as module state
    del buf, mask, tau, alpha
    return out

if __name__ == "__main__":
    import jax
    _d = setup_inputs()
    print(jax.jit(kernel)(*tuple(_d.values())))

</pallas_src>

<mosaic_0001>
#map = affine_map<(d0, d1) -> (0)>
module attributes {stable_mosaic.version = 14 : i64} {
  func.func @_sc_gelu_body(%arg0: i32, %arg1: i32, %arg2: memref<67108864xf32, #tpu.memory_space<hbm>>, %arg3: memref<67108864xf32, #tpu.memory_space<hbm>>, %arg4: memref<16384xf32, #tpu.memory_space<vmem>>, %arg5: memref<16384xf32, #tpu.memory_space<vmem>>) attributes {dimension_semantics = [#tpu.dimension_semantics<core_parallel>, #tpu.dimension_semantics<subcore_parallel>], iteration_bounds = array<i64: 2, 16>, scalar_prefetch = 0 : i64, scratch_operands = 2 : i64, tpu.core_type = #tpu.core_type<sc_vector_subcore>, window_params = [{transform_indices = #map}, {transform_indices = #map}]} {
    %mul3A = arith.constant 16 : i32
    %mul3A_0 = arith.muli %arg0, %mul3A : i32
    %add3A = arith.addi %mul3A_0, %arg1 : i32
    %mul3A_1 = arith.constant 2097152 : i32
    %mul3A_2 = arith.muli %add3A, %mul3A_1 : i32
    %scan3A = arith.constant 0 : i32
    %scan3A_3 = arith.constant 0 : i32
    %scan3A_4 = arith.constant 128 : i32
    %scan3A_5 = arith.addi %scan3A_3, %scan3A_4 : i32
    %scan3A_6 = arith.constant 1 : i32
    scf.for %scan3A_8 = %scan3A_3 to %scan3A_5 step %scan3A_6  : i32 {
      %mul3A_9 = arith.constant 16384 : i32
      %mul3A_10 = arith.muli %scan3A_8, %mul3A_9 : i32
      %add3A_11 = arith.addi %mul3A_2, %mul3A_10 : i32
      "tpu.region"() ({
        %run_scoped3A = tpu.sem_alloc : memref<!tpu.dma_semaphore, #tpu.memory_space<semaphore_mem>>
        %dma_start3A = tpu.memref_slice %arg2[%add3A_11] : memref<67108864xf32, #tpu.memory_space<hbm>> -> memref<16384xf32, #tpu.memory_space<hbm>>
        %dma_start3A_18 = tpu.memref_slice %arg2[%add3A_11] : memref<67108864xf32, #tpu.memory_space<hbm>> -> memref<16384xf32, #tpu.memory_space<hbm>>
        tpu.enqueue_dma source(%dma_start3A_18 : memref<16384xf32, #tpu.memory_space<hbm>>) target(%arg4 : memref<16384xf32, #tpu.memory_space<vmem>>) target_semaphore(%run_scoped3A : memref<!tpu.dma_semaphore, #tpu.memory_space<semaphore_mem>>)
        %dma_wait3A = tpu.memref_slice %arg2[%add3A_11] : memref<67108864xf32, #tpu.memory_space<hbm>> -> memref<16384xf32, #tpu.memory_space<hbm>>
        %dma_wait3A_19 = tpu.memref_slice %arg2[%add3A_11] : memref<67108864xf32, #tpu.memory_space<hbm>> -> memref<16384xf32, #tpu.memory_space<hbm>>
        tpu.wait_dma2 semaphore(%run_scoped3A : memref<!tpu.dma_semaphore, #tpu.memory_space<semaphore_mem>>) src(%dma_wait3A_19 : memref<16384xf32, #tpu.memory_space<hbm>>) dst(%arg4 : memref<16384xf32, #tpu.memory_space<vmem>>)
        tpu.yield
      }) : () -> ()
      %scan3A_12 = arith.constant 0 : i32
      %scan3A_13 = arith.constant 0 : i32
      %scan3A_14 = arith.constant 1024 : i32
      %scan3A_15 = arith.addi %scan3A_13, %scan3A_14 : i32
      %scan3A_16 = arith.constant 4 : i32
      scf.for %scan3A_18 = %scan3A_13 to %scan3A_15 step %scan3A_16  : i32 {
        %mul3A_19 = arith.constant 16 : i32
        %mul3A_20 = arith.muli %scan3A_18, %mul3A_19 : i32
        %get3A = arith.index_cast %mul3A_20 : i32 to index
        %get3A_21 = tpu.vector_load %arg4[%get3A] {strides = array<i32>} : memref<16384xf32, #tpu.memory_space<vmem>>, vector<16xf32>,
        %get3A_22 = vector.shape_cast %get3A_21 : vector<16xf32> to vector<16xf32>
        %mul3A_23 = arith.mulf %get3A_22, %get3A_22 : vector<16xf32>
        %mul3A_24 = arith.mulf %mul3A_23, %get3A_22 : vector<16xf32>
        %mul3A_25 = arith.constant -1.59576917 : f32
        %mul3A_26 = vector.broadcast %mul3A_25 : f32 to vector<16xf32>
        %mul3A_27 = arith.mulf %mul3A_26, %get3A_22 : vector<16xf32>
        %mul3A_28 = arith.constant -0.0713548139 : f32
        %mul3A_29 = vector.broadcast %mul3A_28 : f32 to vector<16xf32>
        %mul3A_30 = arith.mulf %mul3A_29, %mul3A_24 : vector<16xf32>
        %add3A_31 = arith.addf %mul3A_27, %mul3A_30 : vector<16xf32>
        %exp3A = math.exp %add3A_31 : vector<16xf32>
        %add3A_32 = arith.constant 1.000000e+00 : f32
        %add3A_33 = vector.broadcast %add3A_32 : f32 to vector<16xf32>
        %add3A_34 = arith.addf %add3A_33, %exp3A : vector<16xf32>
        %div3A = arith.divf %get3A_22, %add3A_34 : vector<16xf32>
        %mul3A_35 = arith.constant 16 : i32
        %mul3A_36 = arith.muli %scan3A_18, %mul3A_35 : i32
        %swap3A = arith.index_cast %mul3A_36 : i32 to index
        %swap3A_37 = tpu.vector_load %arg5[%swap3A] {strides = array<i32>} : memref<16384xf32, #tpu.memory_space<vmem>>, vector<16xf32>,
        %swap3A_38 = vector.shape_cast %swap3A_37 : vector<16xf32> to vector<16xf32>
        %swap3A_39 = vector.shape_cast %div3A : vector<16xf32> to vector<16xf32>
        tpu.vector_store %arg5[%swap3A], %swap3A_39 {strides = array<i32>} : memref<16384xf32, #tpu.memory_space<vmem>>, vector<16xf32>,
        %scan3A_40 = arith.constant 1 : i32
        %scan3A_41 = arith.addi %scan3A_18, %scan3A_40 : i32
        %mul3A_42 = arith.constant 16 : i32
        %mul3A_43 = arith.muli %scan3A_41, %mul3A_42 : i32
        %get3A_44 = arith.index_cast %mul3A_43 : i32 to index
        %get3A_45 = tpu.vector_load %arg4[%get3A_44] {strides = array<i32>} : memref<16384xf32, #tpu.memory_space<vmem>>, vector<16xf32>,
        %get3A_46 = vector.shape_cast %get3A_45 : vector<16xf32> to vector<16xf32>
        %mul3A_47 = arith.mulf %get3A_46, %get3A_46 : vector<16xf32>
        %mul3A_48 = arith.mulf %mul3A_47, %get3A_46 : vector<16xf32>
        %mul3A_49 = arith.constant -1.59576917 : f32
        %mul3A_50 = vector.broadcast %mul3A_49 : f32 to vector<16xf32>
        %mul3A_51 = arith.mulf %mul3A_50, %get3A_46 : vector<16xf32>
        %mul3A_52 = arith.constant -0.0713548139 : f32
        %mul3A_53 = vector.broadcast %mul3A_52 : f32 to vector<16xf32>
        %mul3A_54 = arith.mulf %mul3A_53, %mul3A_48 : vector<16xf32>
        %add3A_55 = arith.addf %mul3A_51, %mul3A_54 : vector<16xf32>
        %exp3A_56 = math.exp %add3A_55 : vector<16xf32>
        %add3A_57 = arith.constant 1.000000e+00 : f32
        %add3A_58 = vector.broadcast %add3A_57 : f32 to vector<16xf32>
        %add3A_59 = arith.addf %add3A_58, %exp3A_56 : vector<16xf32>
        %div3A_60 = arith.divf %get3A_46, %add3A_59 : vector<16xf32>
        %mul3A_61 = arith.constant 16 : i32
        %mul3A_62 = arith.muli %scan3A_41, %mul3A_61 : i32
        %swap3A_63 = arith.index_cast %mul3A_62 : i32 to index
        %swap3A_64 = tpu.vector_load %arg5[%swap3A_63] {strides = array<i32>} : memref<16384xf32, #tpu.memory_space<vmem>>, vector<16xf32>,
        %swap3A_65 = vector.shape_cast %swap3A_64 : vector<16xf32> to vector<16xf32>
        %swap3A_66 = vector.shape_cast %div3A_60 : vector<16xf32> to vector<16xf32>
        tpu.vector_store %arg5[%swap3A_63], %swap3A_66 {strides = array<i32>} : memref<16384xf32, #tpu.memory_space<vmem>>, vector<16xf32>,
        %scan3A_67 = arith.constant 2 : i32
        %scan3A_68 = arith.addi %scan3A_18, %scan3A_67 : i32
        %mul3A_69 = arith.constant 16 : i32
        %mul3A_70 = arith.muli %scan3A_68, %mul3A_69 : i32
        %get3A_71 = arith.index_cast %mul3A_70 : i32 to index
        %get3A_72 = tpu.vector_load %arg4[%get3A_71] {strides = array<i32>} : memref<16384xf32, #tpu.memory_space<vmem>>, vector<16xf32>,
        %get3A_73 = vector.shape_cast %get3A_72 : vector<16xf32> to vector<16xf32>
        %mul3A_74 = arith.mulf %get3A_73, %get3A_73 : vector<16xf32>
        %mul3A_75 = arith.mulf %mul3A_74, %get3A_73 : vector<16xf32>
        %mul3A_76 = arith.constant -1.59576917 : f32
        %mul3A_77 = vector.broadcast %mul3A_76 : f32 to vector<16xf32>
        %mul3A_78 = arith.mulf %mul3A_77, %get3A_73 : vector<16xf32>
        %mul3A_79 = arith.constant -0.0713548139 : f32
        %mul3A_80 = vector.broadcast %mul3A_79 : f32 to vector<16xf32>
        %mul3A_81 = arith.mulf %mul3A_80, %mul3A_75 : vector<16xf32>
        %add3A_82 = arith.addf %mul3A_78, %mul3A_81 : vector<16xf32>
        %exp3A_83 = math.exp %add3A_82 : vector<16xf32>
        %add3A_84 = arith.constant 1.000000e+00 : f32
        %add3A_85 = vector.broadcast %add3A_84 : f32 to vector<16xf32>
        %add3A_86 = arith.addf %add3A_85, %exp3A_83 : vector<16xf32>
        %div3A_87 = arith.divf %get3A_73, %add3A_86 : vector<16xf32>
        %mul3A_88 = arith.constant 16 : i32
        %mul3A_89 = arith.muli %scan3A_68, %mul3A_88 : i32
        %swap3A_90 = arith.index_cast %mul3A_89 : i32 to index
        %swap3A_91 = tpu.vector_load %arg5[%swap3A_90] {strides = array<i32>} : memref<16384xf32, #tpu.memory_space<vmem>>, vector<16xf32>,
        %swap3A_92 = vector.shape_cast %swap3A_91 : vector<16xf32> to vector<16xf32>
        %swap3A_93 = vector.shape_cast %div3A_87 : vector<16xf32> to vector<16xf32>
        tpu.vector_store %arg5[%swap3A_90], %swap3A_93 {strides = array<i32>} : memref<16384xf32, #tpu.memory_space<vmem>>, vector<16xf32>,
        %scan3A_94 = arith.constant 3 : i32
        %scan3A_95 = arith.addi %scan3A_18, %scan3A_94 : i32
        %mul3A_96 = arith.constant 16 : i32
        %mul3A_97 = arith.muli %scan3A_95, %mul3A_96 : i32
        %get3A_98 = arith.index_cast %mul3A_97 : i32 to index
        %get3A_99 = tpu.vector_load %arg4[%get3A_98] {strides = array<i32>} : memref<16384xf32, #tpu.memory_space<vmem>>, vector<16xf32>,
        %get3A_100 = vector.shape_cast %get3A_99 : vector<16xf32> to vector<16xf32>
        %mul3A_101 = arith.mulf %get3A_100, %get3A_100 : vector<16xf32>
        %mul3A_102 = arith.mulf %mul3A_101, %get3A_100 : vector<16xf32>
        %mul3A_103 = arith.constant -1.59576917 : f32
        %mul3A_104 = vector.broadcast %mul3A_103 : f32 to vector<16xf32>
        %mul3A_105 = arith.mulf %mul3A_104, %get3A_100 : vector<16xf32>
        %mul3A_106 = arith.constant -0.0713548139 : f32
        %mul3A_107 = vector.broadcast %mul3A_106 : f32 to vector<16xf32>
        %mul3A_108 = arith.mulf %mul3A_107, %mul3A_102 : vector<16xf32>
        %add3A_109 = arith.addf %mul3A_105, %mul3A_108 : vector<16xf32>
        %exp3A_110 = math.exp %add3A_109 : vector<16xf32>
        %add3A_111 = arith.constant 1.000000e+00 : f32
        %add3A_112 = vector.broadcast %add3A_111 : f32 to vector<16xf32>
        %add3A_113 = arith.addf %add3A_112, %exp3A_110 : vector<16xf32>
        %div3A_114 = arith.divf %get3A_100, %add3A_113 : vector<16xf32>
        %mul3A_115 = arith.constant 16 : i32
        %mul3A_116 = arith.muli %scan3A_95, %mul3A_115 : i32
        %swap3A_117 = arith.index_cast %mul3A_116 : i32 to index
        %swap3A_118 = tpu.vector_load %arg5[%swap3A_117] {strides = array<i32>} : memref<16384xf32, #tpu.memory_space<vmem>>, vector<16xf32>,
        %swap3A_119 = vector.shape_cast %swap3A_118 : vector<16xf32> to vector<16xf32>
        %swap3A_120 = vector.shape_cast %div3A_114 : vector<16xf32> to vector<16xf32>
        tpu.vector_store %arg5[%swap3A_117], %swap3A_120 {strides = array<i32>} : memref<16384xf32, #tpu.memory_space<vmem>>, vector<16xf32>,
      }
      %scan3A_17 = arith.constant 1024 : i32
      "tpu.region"() ({
        %run_scoped3A = tpu.sem_alloc : memref<!tpu.dma_semaphore, #tpu.memory_space<semaphore_mem>>
        %dma_start3A = tpu.memref_slice %arg3[%add3A_11] : memref<67108864xf32, #tpu.memory_space<hbm>> -> memref<16384xf32, #tpu.memory_space<hbm>>
        %dma_start3A_18 = tpu.memref_slice %arg3[%add3A_11] : memref<67108864xf32, #tpu.memory_space<hbm>> -> memref<16384xf32, #tpu.memory_space<hbm>>
        tpu.enqueue_dma source(%arg5 : memref<16384xf32, #tpu.memory_space<vmem>>) target(%dma_start3A_18 : memref<16384xf32, #tpu.memory_space<hbm>>) target_semaphore(%run_scoped3A : memref<!tpu.dma_semaphore, #tpu.memory_space<semaphore_mem>>)
        %dma_wait3A = tpu.memref_slice %arg3[%add3A_11] : memref<67108864xf32, #tpu.memory_space<hbm>> -> memref<16384xf32, #tpu.memory_space<hbm>>
        %dma_wait3A_19 = tpu.memref_slice %arg3[%add3A_11] : memref<67108864xf32, #tpu.memory_space<hbm>> -> memref<16384xf32, #tpu.memory_space<hbm>>
        tpu.wait_dma2 semaphore(%run_scoped3A : memref<!tpu.dma_semaphore, #tpu.memory_space<semaphore_mem>>) src(%arg5 : memref<16384xf32, #tpu.memory_space<vmem>>) dst(%dma_wait3A_19 : memref<16384xf32, #tpu.memory_space<hbm>>)
        tpu.yield
      }) : () -> ()
    }
    %scan3A_7 = arith.constant 128 : i32
    return
  }
}

</mosaic_0001>

<sc_bundles>
// kernel: kernel.3.cloned.1.call-start
scs
__scs_entry_jumppad:
0x0: {  	(pc) =	sbr.rel $0x88, $3  }
0x1: {  	(tag) =	ssettag $0x0;
	lr =	simm.s32 $0x1  }
0x2: {  	[smem:$0x3FA0] =	sst lr;
	_ =	strace $0xD0000000  }
0x3: {  	_ = 	snop  }
0x4: {  	_ = 	snop  }
0x5: {  	_ = 	snop  }
0x6: {  	_ = 	snop  }
0x7: {  	_ = 	snop  }
__scs_overlays_trampoline_lowered:
0x8: {  	[smem:$0x3FAF] =	sst s0  }
0x9: {  	[smem:$0x3FB0] =	sst s1  }
0xa: {  	[smem:$0x3FB1] =	sst s2  }
0xb: {  	[smem:$0x3FB2] =	sst s3  }
0xc: {  	[smem:$0x3FB3] =	sst s4  }
0xd: {  	[smem:$0x3FB4] =	sst s5  }
0xe: {  	[smem:$0x3FB5] =	sst s6  }
0xf: {  	[smem:$0x3FB6] =	sst s7  }
0x10: {  	[smem:$0x3FB7] =	sst s8  }
0x11: {  	[smem:$0x3FB8] =	sst s9;
	s0 =	simm.s32 @!p0 $0x0  }
0x12: {  	s1 =	sld [smem:$0x3F9E];
	s0 =	simm.s32 @p0 $0x1  }
0x13: {  	[smem:$0x3FB9] =	sst s0;
	s0 =	simm.s32 @!p1 $0x0  }
0x14: {  	s2 =	sld [smem:$0x3F9D];
	s0 =	simm.s32 @p1 $0x1  }
0x15: {  	[smem:$0x3FBA] =	sst s0;
	s0 =	simm.s32 @!p2 $0x0  }
0x16: {  	s3 =	sld [smem:$0x3FDB];
	s0 =	simm.s32 @p2 $0x1  }
0x17: {  	s4 =	simm.s32 $0x1BF5;
	[smem:$0x3FBC] =	sst s0  }
0x18: {  	s0 =	sld [smem:$0x3F9F];
	_ =	swait.ge [sflag:s4], $0x0  }
0x19: {  	s7 =	sld [smem:$0x3FA0]  }
0x1a: {  	s8 =	sadd.s32 $0xFFFFE003, lr  }
0x1b: {  	s9 =	sadd.s32 $0xFFFFFEF7, lr;
	s5 =	simm.s32 $0xFFFFFFFF;
	p2 =	slt.u32 s8, $0xFFFFF086  }
0x1c: {  	p1 =	slt.u32 s9, $0xF7A;
	s5 =	simm.s32 @!p2 $0x0  }
0x1d: {  	s5 =	simm.s32 @p1 $0x1;
	p0 =	seq.s32 s7, s2  }
0x1e: {  	s7 =	smul.u32 @!p0 $0xF7A, s2;
	p2 =	seq.s32 @!p0 s5, $0x0  }
0x1f: {  	s9 =	smul.u32 $0xF7A, s1;
	s8 =	simm.s32 @!p0 $0x1BF5;
	p2 =	por !p2, p0  }
0x20: {  	[sflag:s8] =	ssyncset.s32 @!p0 $0xFFFFF086;
	s6 =	sadd.s32 @!p0 s3, s7;
	s7 =	simm.s32 @!p0 $0x108  }
0x21: {  	s3 =	sadd.s32 s3, s9;
	s6 =	sadd.s32 @!p0 $0x88, s6;
	s7 =	simm.s32 @p2 $0x1082  }
0x22: {  	[simem:s7], [sflag:s8] =	dma.local @!p0 [hbm:s6], $0xF7A  }
0x23: {  	s9 =	sor.u32 $0xD0000000, s2;
	s6 =	simm.s32 $0x108;
	_ =	swait.ge @!p0 [sflag:s8], $0x0  }
0x24: {  	s3 =	sadd.s32 $0x88, s3;
	s6 =	simm.s32 @!p1 $0x1082;
	[sflag:s4] =	ssyncset.s32 $0xFFFFF086  }
0x25: {  	[simem:s6], [sflag:s4] =	dma.local [hbm:s3], $0xF7A  }
0x26: {  	[smem:$0x3FA0] =	sst s1;
	(tag) =	ssettag s2;
	_ =	strace s9  }
0x27: {  	s1 =	sld [smem:$0x3FB0]  }
0x28: {  	s2 =	sld [smem:$0x3FB1]  }
0x29: {  	s4 =	sld [smem:$0x3FB3]  }
0x2a: {  	p0 =	seq.s32 s5, $0x0;
	s5 =	sld [smem:$0x3FB4]  }
0x2b: {  	s6 =	sld [smem:$0x3FB5]  }
0x2c: {  	s7 =	sld [smem:$0x3FB6]  }
0x2d: {  	s3 =	simm.s32 $0x108;
	s8 =	sld [smem:$0x3FB7]  }
0x2e: {  	s3 =	simm.s32 @!p0 $0x1082;
	s9 =	sld [smem:$0x3FB8]  }
0x2f: {  	lr =	sadd.s32 s0, s3;
	s0 =	sld [smem:$0x3FAF]  }
0x30: {  	s3 =	sld [smem:$0x3FB2]  }
0x31: {  	[smem:$0x3FBB] =	sst s10  }
0x32: {  	s10 =	sld [smem:$0x3FB9];
	_ =	sdelay $0x3  }
0x33: {  	p0 =	seq.s32 s10, $0x1;
	s10 =	sld [smem:$0x3FBB];
	_ =	sdelay $0x3  }
0x34: {  	[smem:$0x3FBB] =	sst s10  }
0x35: {  	s10 =	sld [smem:$0x3FBA];
	_ =	sdelay $0x3  }
0x36: {  	p1 =	seq.s32 s10, $0x1;
	s10 =	sld [smem:$0x3FBB];
	_ =	sdelay $0x3  }
0x37: {  	[smem:$0x3FBB] =	sst s10  }
0x38: {  	s10 =	sld [smem:$0x3FBC]  }
0x39: {  	_ = 	snop;
	(pc) =	sbr.ind lr, $3  }
0x3a: {  	_ = 	snop  }
0x3b: {  	_ = 	snop  }
0x3c: {  	p2 =	seq.s32 s10, $0x1;
	s10 =	sld [smem:$0x3FBB]  }
0x3d: {  	_ =	shalt  }
0x3e: {  	_ =	shalt  }
0x3f: {  	_ =	shalt  }
0x40: {  	_ =	shalt  }
0x41: {  	_ =	shalt  }
0x42: {  	_ =	shalt  }
0x43: {  	_ =	shalt  }
0x44: {  	_ =	shalt  }
0x45: {  	_ =	shalt  }
0x46: {  	_ =	shalt  }
0x47: {  	_ =	shalt  }
0x48: {  	_ =	shalt  }
0x49: {  	_ =	shalt  }
0x4a: {  	_ =	shalt  }
0x4b: {  	_ =	shalt  }
0x4c: {  	_ =	shalt  }
0x4d: {  	_ =	shalt  }
0x4e: {  	_ =	shalt  }
0x4f: {  	_ =	shalt  }
0x50: {  	_ =	shalt  }
0x51: {  	_ =	shalt  }
0x52: {  	_ =	shalt  }
0x53: {  	_ =	shalt  }
0x54: {  	_ =	shalt  }
0x55: {  	_ =	shalt  }
0x56: {  	_ =	shalt  }
0x57: {  	_ =	shalt  }
0x58: {  	_ =	shalt  }
0x59: {  	_ =	shalt  }
0x5a: {  	_ =	shalt  }
0x5b: {  	_ =	shalt  }
0x5c: {  	_ =	shalt  }
0x5d: {  	_ =	shalt  }
0x5e: {  	_ =	shalt  }
0x5f: {  	_ =	shalt  }
0x60: {  	_ =	shalt  }
0x61: {  	_ =	shalt  }
0x62: {  	_ =	shalt  }
0x63: {  	_ =	shalt  }
0x64: {  	_ =	shalt  }
0x65: {  	_ =	shalt  }
0x66: {  	_ =	shalt  }
0x67: {  	_ =	shalt  }
0x68: {  	_ =	shalt  }
0x69: {  	_ =	shalt  }
0x6a: {  	_ =	shalt  }
0x6b: {  	_ =	shalt  }
0x6c: {  	_ =	shalt  }
0x6d: {  	_ =	shalt  }
0x6e: {  	_ =	shalt  }
0x6f: {  	_ =	shalt  }
0x70: {  	_ =	shalt  }
0x71: {  	_ =	shalt  }
0x72: {  	_ =	shalt  }
0x73: {  	_ =	shalt  }
0x74: {  	_ =	shalt  }
0x75: {  	_ =	shalt  }
0x76: {  	_ =	shalt  }
0x77: {  	_ =	shalt  }
0x78: {  	_ =	shalt  }
0x79: {  	_ =	shalt  }
0x7a: {  	_ =	shalt  }
0x7b: {  	_ =	shalt  }
0x7c: {  	_ =	shalt  }
0x7d: {  	_ =	shalt  }
0x7e: {  	_ =	shalt  }
0x7f: {  	_ =	shalt  }
0x80: {  	_ =	shalt  }
0x81: {  	_ =	shalt  }
0x82: {  	_ =	shalt  }
0x83: {  	_ =	shalt  }
0x84: {  	_ =	shalt  }
0x85: {  	_ =	shalt  }
0x86: {  	_ =	shalt  }
0x87: {  	_ =	shalt  }
.Lfunc_end0:
.L_simem_size_0:
called_computation.1_lowered:
.L_overlay_start_0:
0x88: {  	s2 =	sld [smem:$0x3FD9]  }
0x89: {  	s3 =	sld [smem:$0x3FFE];
	_ =	sdelay $0x1  }
0x8a: {  	s1 =	srdreg.scid  }
0x8b: {  	s0 =	sand.u32 $0x1, s1  }
0x8c: {  	s17 =	sshll.u32 s0, $0xA;
	s2 =	sadd.s32 s3, s2  }
0x8d: {  	s2 =	sadd.s32 s2, s17  }
0x8e: {  	[smem:$0x3FC7] =	sst s2  }
0x8f: {  	_ = 	snop  }
0x90: {  	s2 =	sld [smem:$0x3FD0];
	(tm) =	ssettm $0x1  }
0x91: {  	s18 =	sld [smem:$0x3FFB];
	_ =	sdelay $0x3  }
0x92: {  	_ =	strace s18  }
0x93: {  	s3 =	sld [smem:$0x3FFC];
	_ =	sdelay $0x3  }
0x94: {  	_ =	strace s3  }
0x95: {  	s3 =	sld [smem:$0x3FFD];
	_ =	sdelay $0x3  }
0x96: {  	_ =	strace s3  }
0x97: {  	_ =	strace $0x8FFFFFFF  }
0x98: {  	s19 =	sld [smem:$0x3FDB];
	_ =	sdelay $0x1  }
0x99: {  	s4 =	simm.s32 $_scs_section_size  }
0x9a: {  	s5 =	simm.s32 $_size__tile_overlayer_lowered;
	s6 =	simm.s32 $_tile_overlayer_lowered  }
0x9b: {  	s22 =	simm.s32 $0x1BFF;
	s21 =	sshll.u32 s6, $0x1;
	s3 =	sadd.s32 s4, s19  }
0x9c: {  	s7 =	simm.s32 $0x0;
	s20 =	sshll.u32 s5, $0x1;
	s5 =	sadd.s32 s21, s3  }
0x9d: {  	[timem:s7], [sflag:s22] =	dma.local [hbm:s5], s20  }
0x9e: {  	_ =	swait.ge [sflag:s22], s20  }
0x9f: {  	s4 =	ssub.s32 $0x0, s20;
	[sflag:s22] =	ssyncset.done $0x0  }
0xa0: {  	[sflag:s22] =	ssyncadd.s32 s4;
	_ =	sdelay $0x1  }
0xa1: {  	s23 =	simm.s32 $0x1B8B  }
0xa2: {  	_ =	swait.ge [sflag:s23], $0x1  }
0xa3: {  	[sflag:s23] =	ssyncset.done $0x0  }
0xa4: {  	s25 =	simm.s32 $0x1B8E;
	s24 =	sld [smem:$0x3FFE];
	[sflag:s23] =	ssyncadd.s32 $0xFFFFFFFF  }
0xa5: {  	s26 =	simm.s32 $execute0_lowered;
	[smem:$0x3FD2] =	sst s25  }
0xa6: {  	s5 =	sshll.u32 s26, $0x1;
	_ =	strace $0x80000049;
	[dreg:$0x1] =	wrdreg $0xFFFFFFFF  }
0xa7: {  	s28 =	simm.s32 $_size_execute0_lowered;
	s3 =	sadd.s32 s3, s5;
	[dreg:$0x0] =	wrdreg $0x0  }
0xa8: {  	s5 =	sshll.u32 s28, $0x1;
	[dreg:$0x2] =	wrdreg s3  }
0xa9: {  	[dreg:$0x3] =	wrdreg s5  }
0xaa: {  	[dreg:$0x4] =	wrdreg $0xC0  }
0xab: {  	_ =	task [dreg:s7], $0x5FFFF  }
0xac: {  	[dreg:$0x1] =	wrdreg $0xFFFFFFFF  }
0xad: {  	[dreg:$0x0] =	wrdreg $0x60  }
0xae: {  	[dreg:$0x2] =	wrdreg s2  }
0xaf: {  	[dreg:$0x3] =	wrdreg s24  }
0xb0: {  	[dreg:$0x4] =	wrdreg $0x9  }
0xb1: {  	_ =	task.clear_ibuf [dreg:s7], $0x5FFFF;
	_ =	strace $0x90000049  }
0xb2: {  	s29 =	simm.s32 $0x9;
	_ =	strace $0x8000004B  }
0xb3: {  	_ =	swait.ge [sflag:s29], $0x1  }
0xb4: {  	[sflag:s29] =	ssyncadd.s32 $0xFFFFFFFF  }
0xb5: {  	_ =	strace $0x9000004B  }
0xb6: {  	_ =	sfence  }
0xb7: {  	s30 =	sld [smem:$0x0];
	_ =	sdelay $0x2  }
0xb8: {  	s31 =	sshll.u32 s1, $0xD;
	s1 =	sshrl.u32 s1, $0x2  }
0xb9: {  	s3 =	sand.u32 $0x4000, s31;
	s1 =	sadd.s32 s1, s30  }
0xba: {  	s0 =	sor.u32 s3, s0;
	s1 =	sshll.u32 s1, $0x11  }
0xbb: {  	s0 =	sor.u32 s1, s0  }
0xbc: {  	s0 =	sadd.s32 $0x8F2B, s0  }
0xbd: {  	[sflag:s0] =	ssyncadd.remote.s32 $0x1  }
0xbe: {  	_ =	sfence.sel $0xFFFF  }
0xbf: {  	[dreg:$0x0] =	wrdreg $0xFFFFFFFF;
	(pc) =	sbr.abs _section_cstart, $3  }
0xc0: {  	[dreg:$0x1] =	wrdreg $0xFFFFFFFF  }
0xc1: {  	_ =	task.clear_ibuf [dreg:s7], $0x2FFFF;
	_ =	strace $0x9FFFFFFF  }
0xc2: {  	(tm) =	ssettm $0x7FFFFFFF  }
0xc3: {  	_ =	shalt  }
tec
execute0_lowered:
.L_overlay_start_1:
0x0: {  	(tag) =	ssettag $0x1  }
0x1: {  	s1 =	rddreg [dreg:$0x0]  }
0x2: {  	s4 =	rddreg [dreg:$0x1]  }
0x3: {  	s3 =	srdreg.scid;
	s0 =	rddreg [dreg:$0x2];
	s2 =	simm.s32 $0x0  }
0x4: {  	s8 =	simm.s32 $0x4000;
	s9 =	simm.s32 $0x0;
	s5 =	sand.u32 $0x1, s3  }
0x5: {  	[smem:$0x7FF] =	sst s2;
	s3 =	stileid.u32;
	s6 =	ssub.s32 $0x2, s5  }
0x6: {  	s4 =	sadd.s32 $0x800, s4;
	_ =	strace $0x8000004A;
	s7 =	sshrl.u32 s6, $0x1  }
0x7: {  	s5 =	sshll.u32 s5, $0x16;
	s31 =	sshll.u32 s3, $0x12;
	s6 =	ssub.s32 s6, s7  }
0x8: {  	s5 =	sor.u32 s31, s5;
	s7 =	simm.s32 $0x1;
	s6 =	smax.u32 s6, $0x1  }
.LBB2_1:
0x9: {  	s10 =	simm.s32 $0x0  }
.LBB2_2:
0xa: {  	s11 =	sshll.u32 s10, $0xB  }
0xb: {  	s11 =	sadd.s32 s5, s11  }
0xc: {  	s12 =	sadd.s32 s1, s11  }
0xd: {  	[tilespmem:s2], [sflag:$0x1] =	stream.linear.gather [hbm4b:s12+s2], $0x4000, $0x38;
	[tilespmem:$0x8000] =	vst v63  }
0xe: {  	_ =	swait.ge [sflag:s7], $0x4000  }
0xf: {  	[sflag:s7] =	ssyncset.done $0x0  }
0x10: {  	s13 =	simm.s32 $0x20;
	[sflag:s7] =	ssyncadd.s32 $0xFFFFC000  }
0x11: {  	v0 =	vld [tilespmem:s13+$0xFFFFFFE0];
	_ =	sdelay $0x4  }
0x12: {  	v1 =	vmul.f32 v0, v0;
	_ =	sdelay $0x1  }
0x13: {  	v1 =	vmul.f32 v1, v0;
	_ =	sdelay $0x1  }
0x14: {  	v2 =	vmul.f32 $-1.595769170e+00, v0;
	v1 =	vmul.f32 $7.135481390e-02, v1;
	_ =	sdelay $0x1  }
0x15: {  	v1 =	vsub.f32 v2, v1;
	_ =	sdelay $0x1  }
0x16: {  	v1 =	vmul.f32 $1.442695020e+00, v1;
	_ =	sdelay $0x1  }
0x17: {  	(erf) = vpow2.f32 v1;
	_ =	sdelay $0x8  }
0x18: {  	v1 =	vpop (erf)  }
0x19: {  	v1 =	vadd.f32 $1.000000000e+00, v1;
	_ =	sdelay $0x1  }
0x1a: {  	(erf) = vrcp.f32 v1;
	_ =	sdelay $0x8  }
0x1b: {  	v1 =	vpop (erf)  }
0x1c: {  	v0 =	vmul.f32 v1, v0  }
0x1d: {  	s12 =	simm.s32 $0x4020  }
0x1e: {  	[tilespmem:s12+$0xFFFFFFE0] =	vst v0  }
0x1f: {  	v0 =	vld [tilespmem:s13+$0xFFFFFFF0];
	_ =	sdelay $0x4  }
0x20: {  	v58 =	vmul.f32 v0, v0;
	_ =	sdelay $0x1  }
0x21: {  	v1 =	vmul.f32 v58, v0;
	_ =	sdelay $0x1  }
0x22: {  	v59 =	vmul.f32 $-1.595769170e+00, v0;
	v1 =	vmul.f32 $7.135481390e-02, v1;
	_ =	sdelay $0x1  }
0x23: {  	v1 =	vsub.f32 v59, v1;
	_ =	sdelay $0x1  }
0x24: {  	v1 =	vmul.f32 $1.442695020e+00, v1;
	_ =	sdelay $0x1  }
0x25: {  	(erf) = vpow2.f32 v1;
	_ =	sdelay $0x8  }
0x26: {  	v1 =	vpop (erf)  }
0x27: {  	v1 =	vadd.f32 $1.000000000e+00, v1;
	_ =	sdelay $0x1  }
0x28: {  	(erf) = vrcp.f32 v1;
	_ =	sdelay $0x8  }
0x29: {  	v1 =	vpop (erf)  }
0x2a: {  	v0 =	vmul.f32 v1, v0;
	_ =	sdelay $0x1  }
0x2b: {  	[tilespmem:s12+$0xFFFFFFF0] =	vst v0  }
0x2c: {  	v0 =	vld [tilespmem:s13+$0x0];
	_ =	sdelay $0x4  }
0x2d: {  	v60 =	vmul.f32 v0, v0;
	_ =	sdelay $0x1  }
0x2e: {  	v1 =	vmul.f32 v60, v0;
	_ =	sdelay $0x1  }
0x2f: {  	v61 =	vmul.f32 $-1.595769170e+00, v0;
	v1 =	vmul.f32 $7.135481390e-02, v1;
	_ =	sdelay $0x1  }
0x30: {  	v1 =	vsub.f32 v61, v1;
	_ =	sdelay $0x1  }
0x31: {  	v1 =	vmul.f32 $1.442695020e+00, v1;
	_ =	sdelay $0x1  }
0x32: {  	(erf) = vpow2.f32 v1;
	_ =	sdelay $0x8  }
0x33: {  	v1 =	vpop (erf)  }
0x34: {  	v1 =	vadd.f32 $1.000000000e+00, v1;
	_ =	sdelay $0x1  }
0x35: {  	(erf) = vrcp.f32 v1;
	_ =	sdelay $0x8  }
0x36: {  	v1 =	vpop (erf)  }
0x37: {  	v0 =	vmul.f32 v1, v0;
	_ =	sdelay $0x1  }
0x38: {  	[tilespmem:s12+$0x0] =	vst v0  }
0x39: {  	v0 =	vld [tilespmem:s13+$0x10];
	_ =	sdelay $0x4  }
0x3a: {  	v62 =	vmul.f32 v0, v0;
	_ =	sdelay $0x1  }
0x3b: {  	v1 =	vmul.f32 v62, v0;
	_ =	sdelay $0x1  }
0x3c: {  	v63 =	vmul.f32 $-1.595769170e+00, v0;
	v1 =	vmul.f32 $7.135481390e-02, v1;
	_ =	sdelay $0x1  }
0x3d: {  	v1 =	vsub.f32 v63, v1;
	_ =	sdelay $0x1  }
0x3e: {  	v1 =	vmul.f32 $1.442695020e+00, v1;
	_ =	sdelay $0x1  }
0x3f: {  	(erf) = vpow2.f32 v1;
	_ =	sdelay $0x8  }
0x40: {  	v1 =	vpop (erf)  }
0x41: {  	v1 =	vadd.f32 $1.000000000e+00, v1;
	_ =	sdelay $0x1  }
0x42: {  	(erf) = vrcp.f32 v1;
	_ =	sdelay $0x8  }
0x43: {  	v1 =	vpop (erf)  }
0x44: {  	v0 =	vmul.f32 v1, v0;
	_ =	sdelay $0x1  }
0x45: {  	s14 =	simm.s32 $0x60;
	s13 =	simm.s32 $0x0;
	[tilespmem:s12+$0x10] =	vst v0  }
.LBB2_3:
0x46: {  	v0 =	vld [tilespmem:s14+$0xFFFFFFE0];
	s13 =	sadd.s32 $0x4, s13  }
0x47: {  	p0 =	slt.u32 s13, $0x3FC;
	_ =	sdelay $0x3  }
0x48: {  	v1 =	vmul.f32 v0, v0;
	_ =	sdelay $0x1  }
0x49: {  	v1 =	vmul.f32 v1, v0;
	_ =	sdelay $0x1  }
0x4a: {  	v2 =	vmul.f32 $-1.595769170e+00, v0;
	v1 =	vmul.f32 $7.135481390e-02, v1;
	_ =	sdelay $0x1  }
0x4b: {  	v1 =	vsub.f32 v2, v1;
	_ =	sdelay $0x1  }
0x4c: {  	v1 =	vmul.f32 $1.442695020e+00, v1;
	_ =	sdelay $0x1  }
0x4d: {  	(erf) = vpow2.f32 v1;
	_ =	sdelay $0x8  }
0x4e: {  	v1 =	vpop (erf)  }
0x4f: {  	v1 =	vadd.f32 $1.000000000e+00, v1;
	_ =	sdelay $0x1  }
0x50: {  	(erf) = vrcp.f32 v1;
	_ =	sdelay $0x8  }
0x51: {  	v1 =	vpop (erf)  }
0x52: {  	v0 =	vmul.f32 v1, v0  }
0x53: {  	s12 =	sadd.s32 $0x40, s12  }
0x54: {  	[tilespmem:s12+$0xFFFFFFE0] =	vst v0  }
0x55: {  	v0 =	vld [tilespmem:s14+$0xFFFFFFF0];
	_ =	sdelay $0x4  }
0x56: {  	v1 =	vmul.f32 v0, v0;
	_ =	sdelay $0x1  }
0x57: {  	v1 =	vmul.f32 v1, v0;
	_ =	sdelay $0x1  }
0x58: {  	v2 =	vmul.f32 $-1.595769170e+00, v0;
	v1 =	vmul.f32 $7.135481390e-02, v1;
	_ =	sdelay $0x1  }
0x59: {  	v1 =	vsub.f32 v2, v1;
	_ =	sdelay $0x1  }
0x5a: {  	v1 =	vmul.f32 $1.442695020e+00, v1;
	_ =	sdelay $0x1  }
0x5b: {  	(erf) = vpow2.f32 v1;
	_ =	sdelay $0x8  }
0x5c: {  	v1 =	vpop (erf)  }
0x5d: {  	v1 =	vadd.f32 $1.000000000e+00, v1;
	_ =	sdelay $0x1  }
0x5e: {  	(erf) = vrcp.f32 v1;
	_ =	sdelay $0x8  }
0x5f: {  	v1 =	vpop (erf)  }
0x60: {  	v0 =	vmul.f32 v1, v0;
	_ =	sdelay $0x1  }
0x61: {  	[tilespmem:s12+$0xFFFFFFF0] =	vst v0  }
0x62: {  	v0 =	vld [tilespmem:s14+$0x0];
	_ =	sdelay $0x4  }
0x63: {  	v1 =	vmul.f32 v0, v0;
	_ =	sdelay $0x1  }
0x64: {  	v1 =	vmul.f32 v1, v0;
	_ =	sdelay $0x1  }
0x65: {  	v2 =	vmul.f32 $-1.595769170e+00, v0;
	v1 =	vmul.f32 $7.135481390e-02, v1;
	_ =	sdelay $0x1  }
0x66: {  	v1 =	vsub.f32 v2, v1;
	_ =	sdelay $0x1  }
0x67: {  	v1 =	vmul.f32 $1.442695020e+00, v1;
	_ =	sdelay $0x1  }
0x68: {  	(erf) = vpow2.f32 v1;
	_ =	sdelay $0x8  }
0x69: {  	v1 =	vpop (erf)  }
0x6a: {  	v1 =	vadd.f32 $1.000000000e+00, v1;
	_ =	sdelay $0x1  }
0x6b: {  	(erf) = vrcp.f32 v1;
	_ =	sdelay $0x8  }
0x6c: {  	v1 =	vpop (erf)  }
0x6d: {  	v0 =	vmul.f32 v1, v0;
	_ =	sdelay $0x1  }
0x6e: {  	[tilespmem:s12+$0x0] =	vst v0  }
0x6f: {  	v0 =	vld [tilespmem:s14+$0x10];
	_ =	sdelay $0x4  }
0x70: {  	v1 =	vmul.f32 v0, v0;
	_ =	sdelay $0x1  }
0x71: {  	v1 =	vmul.f32 v1, v0;
	_ =	sdelay $0x1  }
0x72: {  	v2 =	vmul.f32 $-1.595769170e+00, v0;
	v1 =	vmul.f32 $7.135481390e-02, v1;
	_ =	sdelay $0x1  }
0x73: {  	v1 =	vsub.f32 v2, v1;
	_ =	sdelay $0x1  }
0x74: {  	v1 =	vmul.f32 $1.442695020e+00, v1;
	_ =	sdelay $0x1  }
0x75: {  	(erf) = vpow2.f32 v1;
	_ =	sdelay $0x8  }
0x76: {  	v1 =	vpop (erf)  }
0x77: {  	v1 =	vadd.f32 $1.000000000e+00, v1;
	_ =	sdelay $0x1  }
0x78: {  	(erf) = vrcp.f32 v1;
	_ =	sdelay $0x7  }
.Ltmp0:
0x79: {  	(pc) =	sbr.rel @p0 .LBB2_3-.Ltmp0, $3  }
0x7a: {  	v1 =	vpop (erf)  }
0x7b: {  	v0 =	vmul.f32 v1, v0;
	_ =	sdelay $0x1  }
0x7c: {  	s14 =	sadd.s32 $0x40, s14;
	[tilespmem:s12+$0x10] =	vst v0  }
0x7d: {  	s10 =	sadd.s32 $0x1, s10  }
0x7e: {  	p0 =	sne.s32 s10, $0x80  }
.Ltmp1:
0x7f: {  	s11 =	sadd.s32 s4, s11;
	(pc) =	sbr.rel @p0 .LBB2_2-.Ltmp1, $4  }
0x80: {  	[hbm4b:s11+s2] =	stream.linear.scatter [tilespmem:s8], [sflag:$0x1], $0x4000, $0x38;
	[tilespmem:$0x8000] =	vst v63  }
0x81: {  	_ =	swait.ge [sflag:s7], $0x4000  }
0x82: {  	[sflag:s7] =	ssyncset.done $0x0  }
0x83: {  	[sflag:s7] =	ssyncadd.s32 $0xFFFFC000  }
0x84: {  	s9 =	sadd.s32 $0x1, s9  }
0x85: {  	p0 =	sne.s32 s9, s6  }
.Ltmp2:
0x86: {  	_ = 	snop;
	(pc) =	sbr.rel @p0 .LBB2_1-.Ltmp2, $1  }
0x87: {  	_ =	sdelay $0x3  }
0x88: {  	_ =	sfence.sel $0x180000  }
0x89: {  	[bflag:$0x0] =	sbarrier.arrive $0xFFFF  }
0x8a: {  	p0 =	sne.s32 s3, $0x0;
	_ =	strace $0x9000004A  }
0x8b: {  	s0 =	sadd.s32 @!p0 $0x100000, s0;
	[bflag:$0x2] =	sbarrier.arrive $0xFFFF  }
0x8c: {  	[sflag:s0] =	ssyncadd.tile.s32 @!p0 $0x1;
	_ =	shalt  }
.Lfunc_end2:
_tile_overlayer_lowered:
.L_overlay_start_2:
0x8d: {  	(tag) =	ssettag $0x2  }
0x8e: {  	s0 =	rddreg [dreg:$0x0];
	s2 =	stileid.u32  }
0x8f: {  	s1 =	rddreg [dreg:$0x1];
	p0 =	sne.s32 s2, $0x0  }
0x90: {  	s3 =	rddreg [dreg:$0x2];
	[bflag:$0x3] =	sbarrier.arrive $0xFFFF;
	s2 =	simm.s32 @!p0 $0x1C01  }
0x91: {  	[timem:s3], [sflag:s2] =	dma.local @!p0 [hbm:s0], s1  }
0x92: {  	s0 =	simm.s32 @!p0 $0x1  }
0x93: {  	_ =	swait.ge @!p0 [sflag:s0], s1  }
0x94: {  	s1 =	ssub.s32 @!p0 $0x0, s1;
	[sflag:s0] =	ssyncset.done @!p0 $0x0  }
0x95: {  	[sflag:s0] =	ssyncadd.s32 @!p0 s1  }
0x96: {  	[bflag:$0x3] =	sbarrier.arrive $0xFFFF  }
0x97: {  	_ =	shalt  }

// kernel: sparse-core-data-format-call.cloned.1.call-start
scs
called_computation_lowered:
.L_overlay_start_0:
0x0: {  	s2 =	sld [smem:$0x3FD9]  }
0x1: {  	s3 =	sld [smem:$0x3FFE];
	_ =	sdelay $0x1  }
0x2: {  	s1 =	srdreg.scid  }
0x3: {  	s0 =	sand.u32 $0x1, s1  }
0x4: {  	s19 =	sshll.u32 s0, $0xA;
	s2 =	sadd.s32 s3, s2  }
0x5: {  	s2 =	sadd.s32 s2, s19  }
0x6: {  	[smem:$0x3FC7] =	sst s2  }
0x7: {  	_ = 	snop  }
0x8: {  	s2 =	sld [smem:$0x3FC9]  }
0x9: {  	s20 =	sld [smem:$0x3FD0];
	(tm) =	ssettm $0x1  }
0xa: {  	s4 =	sld [smem:$0x3FFB];
	_ =	sdelay $0x3  }
0xb: {  	_ =	strace s4  }
0xc: {  	s4 =	sld [smem:$0x3FFC];
	_ =	sdelay $0x3  }
0xd: {  	_ =	strace s4  }
0xe: {  	s4 =	sld [smem:$0x3FFD];
	_ =	sdelay $0x3  }
0xf: {  	_ =	strace s4  }
0x10: {  	_ =	strace $0x8FFFFFFF  }
0x11: {  	s21 =	sld [smem:$0x3FDB];
	_ =	sdelay $0x1  }
0x12: {  	s5 =	simm.s32 $_scs_section_size  }
0x13: {  	s6 =	simm.s32 $_size__tile_overlayer_lowered;
	s7 =	simm.s32 $_tile_overlayer_lowered  }
0x14: {  	s24 =	simm.s32 $0x1BFF;
	s23 =	sshll.u32 s7, $0x1;
	s4 =	sadd.s32 s5, s21  }
0x15: {  	s8 =	simm.s32 $0x0;
	s22 =	sshll.u32 s6, $0x1;
	s6 =	sadd.s32 s23, s4  }
0x16: {  	[timem:s8], [sflag:s24] =	dma.local [hbm:s6], s22  }
0x17: {  	_ =	swait.ge [sflag:s24], s22  }
0x18: {  	s5 =	ssub.s32 $0x0, s22;
	[sflag:s24] =	ssyncset.done $0x0  }
0x19: {  	[sflag:s24] =	ssyncadd.s32 s5;
	_ =	sdelay $0x1  }
0x1a: {  	s25 =	simm.s32 $0x1B8B  }
0x1b: {  	_ =	swait.ge [sflag:s25], $0x1  }
0x1c: {  	[sflag:s25] =	ssyncset.done $0x0  }
0x1d: {  	s26 =	simm.s32 $0x1B8E;
	[sflag:s25] =	ssyncadd.s32 $0xFFFFFFFF  }
0x1e: {  	s27 =	simm.s32 $execute0_lowered;
	[smem:$0x3FD2] =	sst s26  }
0x1f: {  	s5 =	sshll.u32 s27, $0x1;
	_ =	strace $0x80000046;
	[dreg:$0x1] =	wrdreg $0xFFFFFFFF  }
0x20: {  	s28 =	simm.s32 $_size_execute0_lowered;
	s4 =	sadd.s32 s4, s5;
	[dreg:$0x0] =	wrdreg $0x0  }
0x21: {  	s5 =	sshll.u32 s28, $0x1;
	[dreg:$0x2] =	wrdreg s4  }
0x22: {  	[dreg:$0x3] =	wrdreg s5  }
0x23: {  	[dreg:$0x4] =	wrdreg $0xC0  }
0x24: {  	_ =	task [dreg:s8], $0x5FFFF  }
0x25: {  	[dreg:$0x1] =	wrdreg $0xFFFFFFFF  }
0x26: {  	[dreg:$0x0] =	wrdreg $0x60  }
0x27: {  	[dreg:$0x2] =	wrdreg s2  }
0x28: {  	[dreg:$0x3] =	wrdreg s20  }
0x29: {  	[dreg:$0x4] =	wrdreg $0x9  }
0x2a: {  	_ =	task.clear_ibuf [dreg:s8], $0x5FFFF;
	_ =	strace $0x90000046  }
0x2b: {  	s29 =	simm.s32 $0x9;
	_ =	strace $0x80000048  }
0x2c: {  	_ =	swait.ge [sflag:s29], $0x1  }
0x2d: {  	[sflag:s29] =	ssyncadd.s32 $0xFFFFFFFF  }
0x2e: {  	_ =	strace $0x90000048  }
0x2f: {  	_ =	sfence  }
0x30: {  	s30 =	sld [smem:$0x0];
	_ =	sdelay $0x2  }
0x31: {  	s31 =	sshll.u32 s1, $0xD;
	s1 =	sshrl.u32 s1, $0x2  }
0x32: {  	s3 =	sand.u32 $0x4000, s31;
	s1 =	sadd.s32 s1, s30  }
0x33: {  	s0 =	sor.u32 s3, s0;
	s1 =	sshll.u32 s1, $0x11  }
0x34: {  	s0 =	sor.u32 s1, s0  }
0x35: {  	s0 =	sadd.s32 $0x8F2B, s0  }
0x36: {  	[sflag:s0] =	ssyncadd.remote.s32 $0x1  }
0x37: {  	_ =	sfence.sel $0xFFFF  }
0x38: {  	[dreg:$0x0] =	wrdreg $0xFFFFFFFF;
	(pc) =	sbr.abs _section_cstart, $3  }
0x39: {  	[dreg:$0x1] =	wrdreg $0xFFFFFFFF  }
0x3a: {  	_ =	task.clear_ibuf [dreg:s8], $0x2FFFF;
	_ =	strace $0x9FFFFFFF  }
0x3b: {  	(tm) =	ssettm $0x7FFFFFFF  }
tec
execute0_lowered:
.L_overlay_start_1:
0x0: {  	(tag) =	ssettag $0x1  }
0x1: {  	s2 =	rddreg [dreg:$0x0]  }
0x2: {  	s3 =	rddreg [dreg:$0x1]  }
0x3: {  	s0 =	rddreg [dreg:$0x2];
	s4 =	srdreg.scid  }
.Ltmp0:
0x4: {  	_ =	strace $0x80000047;
	s1 =	stileid.u32;
	(pc) =	sbr.rel .LBB1_1-.Ltmp0, $4  }
0x5: {  	s6 =	simm.s32 $0x2;
	p0 =	por $0x0, $0x0;
	s5 =	sshll.u32 s4, $0x4  }
0x6: {  	s9 =	simm.s32 $0x0;
	s4 =	simm.s32 $0x1;
	s5 =	sand.u32 $0x10, s5  }
0x7: {  	s7 =	simm.s32 $0x0;
	[sflag:s4] =	ssyncpa.u1 $0x0;
	s5 =	sor.u32 s1, s5  }
0x8: {  	[sflag:s6] =	ssyncpa.u1 $0x0;
	s6 =	simm.s32 $0x0;
	s8 =	smov.u32 s5  }
.LBB1_7:
0x9: {  	s11 =	sadd.s32 $0x20, s8  }
0xa: {  	p1 =	slt.u32 s7, $0x2;
	s7 =	sadd.s32 $0x1, s7;
	p2 =	sgt.s32 s11, $0xFFF  }
0xb: {  	s11 =	smov.u32 @p2 s5;
	p2 =	sne.s32 s7, $0x82  }
.Ltmp1:
0xc: {  	_ = 	snop;
	(pc) =	sbr.rel @!p2 .LBB1_8-.Ltmp1, $4  }
0xd: {  	s10 =	simm.s32 @!p1 $0x2  }
0xe: {  	_ =	swait.ge @!p1 [sflag:s10], $0x4000  }
0xf: {  	s9 =	smov.u32 s8;
	[sflag:s10] =	ssyncset.done @!p1 $0x0  }
0x10: {  	p0 =	por !p0, !p0;
	s8 =	smov.u32 s11;
	[sflag:s10] =	ssyncadd.s32 @!p1 $0xFFFFC000  }
.LBB1_1:
0x11: {  	p1 =	sgt.u32 s7, $0x7F  }
0x12: {  	s10 =	sxor.u32 @!p1 $0xFFFFFFFF, s7  }
0x13: {  	s11 =	sshll.u32 @!p1 s8, $0xB;
	s10 =	sshll.u32 @!p1 s10, $0xE  }
0x14: {  	s12 =	simm.s32 @!p1 $0x0;
	s11 =	sadd.s32 @!p1 s2, s11;
	s10 =	sand.u32 @!p1 $0x4000, s10  }
0x15: {  	[tilespmem:s10], [sflag:$0x1] =	stream.linear.gather @!p1 [hbm4b:s11+s12], $0x4000, $0x38;
	[tilespmem:$0x10000] =	vst v63  }
0x16: {  	p1 =	seq.s32 s7, $0x0  }
0x17: {  	p2 =	seq.s32 @!p1 s7, $0x81  }
0x18: {  	p1 =	por p1, p2  }
.Ltmp2:
0x19: {  	_ = 	snop;
	(pc) =	sbr.rel @p1 .LBB1_7-.Ltmp2, $1  }
0x1a: {  	_ =	sdelay $0x3  }
0x1b: {  	s10 =	simm.s32 $0x1;
	_ =	swait.ge [sflag:s4], $0x4000;
	s12 =	sshll.u32 s7, $0xE  }
0x1c: {  	s13 =	simm.s32 $0x0;
	s10 =	simm.s32 @!p0 $0x0;
	[sflag:s4] =	ssyncset.done $0x0  }
0x1d: {  	s12 =	sand.u32 $0x4000, s12;
	s11 =	sshll.u32 s10, $0xE;
	[sflag:s4] =	ssyncadd.s32 $0xFFFFC000  }
0x1e: {  	s12 =	sor.u32 $0x8000, s12;
	s10 =	sor.u32 $0x8040, s11;
	s11 =	sor.u32 $0x40, s11  }
.LBB1_3:
0x1f: {  	v0 =	vmov s11;
	_ =	sdelay $0x3  }
0x20: {  	s15 =	simm.s32 $0x0  }
0x21: {  	v6 =	vld.idx.msk [tilespmem:v0+s15+$0x30 ss:$0x1], $0xffff  }
0x22: {  	v7 =	vld.idx.msk [tilespmem:v0+s15+$0xFFFFFFC0 ss:$0x1], $0xffff  }
0x23: {  	v5 =	vld.idx.msk [tilespmem:v0+s15+$0xFFFFFFD0 ss:$0x1], $0xffff  }
0x24: {  	v4 =	vld.idx.msk [tilespmem:v0+s15+$0xFFFFFFE0 ss:$0x1], $0xffff  }
0x25: {  	v3 =	vld.idx.msk [tilespmem:v0+s15+$0xFFFFFFF0 ss:$0x1], $0xffff  }
0x26: {  	v1 =	vld.idx.msk [tilespmem:v0+s15+$0x0 ss:$0x1], $0xffff  }
0x27: {  	v2 =	vld.idx.msk [tilespmem:v0+s15+$0x10 ss:$0x1], $0xffff;
	[tilespmem:s10+$0x30] =	vst v6  }
0x28: {  	s14 =	simm.s32 $0x80;
	s16 =	simm.s32 $0x400;
	[tilespmem:s10+$0xFFFFFFC0] =	vst v7;
	v6 =	vld.idx.msk [tilespmem:v0+s15+$0x20 ss:$0x1], $0xffff;
	s15 =	smov.u32 s10  }
.LBB1_4:
0x29: {  	p1 =	sne.s32 s16, $0xE00;
	v7 =	vld.idx.msk [tilespmem:v0+s14+$0x30 ss:$0x1], $0xffff;
	[tilespmem:s15+$0xFFFFFFD0] =	vst v5  }
0x2a: {  	v8 =	vld.idx.msk [tilespmem:v0+s14+$0xFFFFFFC0 ss:$0x1], $0xffff;
	[tilespmem:s15+$0xFFFFFFE0] =	vst v4  }
0x2b: {  	v5 =	vld.idx.msk [tilespmem:v0+s14+$0xFFFFFFD0 ss:$0x1], $0xffff;
	[tilespmem:s15+$0xFFFFFFF0] =	vst v3  }
.Ltmp3:
0x2c: {  	v4 =	vld.idx.msk [tilespmem:v0+s14+$0xFFFFFFE0 ss:$0x1], $0xffff;
	[tilespmem:s15+$0x0] =	vst v1;
	(pc) =	sbr.rel @p1 .LBB1_4-.Ltmp3, $4  }
0x2d: {  	v3 =	vld.idx.msk [tilespmem:v0+s14+$0xFFFFFFF0 ss:$0x1], $0xffff;
	[tilespmem:s15+$0x10] =	vst v2  }
0x2e: {  	v1 =	vld.idx.msk [tilespmem:v0+s14+$0x0 ss:$0x1], $0xffff;
	[tilespmem:s15+$0x20] =	vst v6;
	s15 =	sadd.s32 $0x800, s15  }
0x2f: {  	v2 =	vld.idx.msk [tilespmem:v0+s14+$0x10 ss:$0x1], $0xffff;
	[tilespmem:s15+$0x30] =	vst v7  }
0x30: {  	[tilespmem:s15+$0xFFFFFFC0] =	vst v8;
	v6 =	vld.idx.msk [tilespmem:v0+s14+$0x20 ss:$0x1], $0xffff;
	s14 =	sshra.s32 s16, $0x2;
	s16 =	sadd.s32 $0x200, s16  }
0x31: {  	_ =	sdelay $0x2  }
0x32: {  	[tilespmem:s15+$0xFFFFFFD0] =	vst v5  }
0x33: {  	v56 =	vld.idx.msk [tilespmem:v0+s14+$0x30 ss:$0x1], $0xffff;
	[tilespmem:s15+$0xFFFFFFE0] =	vst v4  }
0x34: {  	v57 =	vld.idx.msk [tilespmem:v0+s14+$0xFFFFFFC0 ss:$0x1], $0xffff;
	[tilespmem:s15+$0xFFFFFFF0] =	vst v3  }
0x35: {  	v58 =	vld.idx.msk [tilespmem:v0+s14+$0xFFFFFFD0 ss:$0x1], $0xffff;
	[tilespmem:s15+$0x0] =	vst v1  }
0x36: {  	v59 =	vld.idx.msk [tilespmem:v0+s14+$0xFFFFFFE0 ss:$0x1], $0xffff;
	[tilespmem:s15+$0x10] =	vst v2  }
0x37: {  	v60 =	vld.idx.msk [tilespmem:v0+s14+$0xFFFFFFF0 ss:$0x1], $0xffff;
	s31 =	sadd.s32 $0x800, s15;
	[tilespmem:s15+$0x20] =	vst v6  }
0x38: {  	v61 =	vld.idx.msk [tilespmem:v0+s14+$0x0 ss:$0x1], $0xffff;
	[tilespmem:s31+$0x30] =	vst v56  }
0x39: {  	v62 =	vld.idx.msk [tilespmem:v0+s14+$0x10 ss:$0x1], $0xffff;
	s13 =	sadd.s32 $0x1, s13;
	[tilespmem:s31+$0xFFFFFFC0] =	vst v57  }
0x3a: {  	v63 =	vld.idx.msk [tilespmem:v0+s14+$0x20 ss:$0x1], $0xffff;
	p1 =	sne.s32 s13, $0x10;
	[tilespmem:s31+$0xFFFFFFD0] =	vst v58  }
.Ltmp4:
0x3b: {  	[tilespmem:s31+$0xFFFFFFE0] =	vst v59;
	(pc) =	sbr.rel @p1 .LBB1_3-.Ltmp4, $4  }
0x3c: {  	[tilespmem:s31+$0xFFFFFFF0] =	vst v60  }
0x3d: {  	[tilespmem:s31+$0x0] =	vst v61  }
0x3e: {  	[tilespmem:s31+$0x10] =	vst v62  }
0x3f: {  	s10 =	sadd.s32 $0x80, s10;
	s11 =	sadd.s32 $0x400, s11;
	[tilespmem:s31+$0x20] =	vst v63  }
.Ltmp5:
0x40: {  	(pc) =	sbr.rel .LBB1_7-.Ltmp5, $4  }
0x41: {  	_ = 	snop  }
0x42: {  	s9 =	sshll.u32 s9, $0xB  }
0x43: {  	s9 =	sadd.s32 s3, s9  }
0x44: {  	[hbm4b:s9+s6] =	stream.linear.scatter [tilespmem:s12], [sflag:$0x2], $0x4000, $0x38;
	[tilespmem:$0x10000] =	vst v63  }
.LBB1_8:
0x45: {  	_ =	sfence.sel $0x180000  }
0x46: {  	s2 =	simm.s32 $0x1;
	[bflag:$0x0] =	sbarrier.arrive $0xFFFF  }
0x47: {  	s31 =	simm.s32 $0x2;
	[sflag:s2] =	ssyncpa.u1 $0x1  }
0x48: {  	[sflag:s31] =	ssyncpa.u1 $0x1  }
0x49: {  	p0 =	sne.s32 s1, $0x0;
	_ =	strace $0x90000047  }
0x4a: {  	s0 =	sadd.s32 @!p0 $0x100000, s0;
	[bflag:$0x2] =	sbarrier.arrive $0xFFFF  }
0x4b: {  	[sflag:s0] =	ssyncadd.tile.s32 @!p0 $0x1;
	_ =	shalt  }
.Lfunc_end1:
_tile_overlayer_lowered:
.L_overlay_start_2:
0x4c: {  	(tag) =	ssettag $0x2  }
0x4d: {  	s0 =	rddreg [dreg:$0x0];
	s2 =	stileid.u32  }
0x4e: {  	s1 =	rddreg [dreg:$0x1];
	p0 =	sne.s32 s2, $0x0  }
0x4f: {  	s3 =	rddreg [dreg:$0x2];
	[bflag:$0x3] =	sbarrier.arrive $0xFFFF;
	s2 =	simm.s32 @!p0 $0x1C01  }
0x50: {  	[timem:s3], [sflag:s2] =	dma.local @!p0 [hbm:s0], s1  }
0x51: {  	s0 =	simm.s32 @!p0 $0x1  }
0x52: {  	_ =	swait.ge @!p0 [sflag:s0], s1  }
0x53: {  	s1 =	ssub.s32 @!p0 $0x0, s1;
	[sflag:s0] =	ssyncset.done @!p0 $0x0  }
0x54: {  	[sflag:s0] =	ssyncadd.s32 @!p0 s1  }
0x55: {  	[bflag:$0x3] =	sbarrier.arrive $0xFFFF  }
0x56: {  	_ =	shalt  }

</sc_bundles>
